<compile_context>
chip_gen: v7x
topology: tpu7x:2x2x1
jax: 0.10.2.dev20260603
libtpu: 0.0.44.dev20260713+nightly
codegen_flags: <defaults>
</compile_context>

<pallas_src>
import functools
import jax
import jax.numpy as jnp
from jax import lax
from jax.experimental import pallas as pl
from jax.experimental.pallas import tpu as pltpu
from jax.experimental.pallas import tpu_sc as plsc

VOCAB = 256
EMBED = 256
HIDDEN = 512
SEQ = 256
BATCH = 64

NW = 32
ROWS_PER_W = (SEQ * BATCH) // NW
CHUNK = 32
NCHUNK = ROWS_PER_W // CHUNK


def _table_kernel(emb_ref, wih_ref, bias_ref, table_ref):
    table_ref[...] = jnp.dot(emb_ref[...], wih_ref[...],
                             preferred_element_type=jnp.float32) + bias_ref[...]


def _make_table(emb, wih_t, bias):
    return pl.pallas_call(
        _table_kernel,
        out_shape=jax.ShapeDtypeStruct((VOCAB, 4 * HIDDEN), jnp.float32),
    )(emb, wih_t, bias)


def _sc_gather(table, idx):
    mesh = plsc.VectorSubcoreMesh(core_axis_name="c", subcore_axis_name="s")

    @functools.partial(
        pl.kernel, mesh=mesh,
        out_type=jax.ShapeDtypeStruct((SEQ * BATCH, 4 * HIDDEN), jnp.float32),
        scratch_types=[
            pltpu.VMEM((CHUNK,), jnp.int32),
            pltpu.VMEM((CHUNK, 4 * HIDDEN), jnp.float32),
            pltpu.SemaphoreType.DMA,
        ],
    )
    def gather(table_hbm, idx_hbm, out_hbm, idx_v, rows_v, sem):
        wid = lax.axis_index("s") * 2 + lax.axis_index("c")
        base = wid * ROWS_PER_W

        def body(j, carry):
            off = base + j * CHUNK
            pltpu.sync_copy(idx_hbm.at[pl.ds(off, CHUNK)], idx_v)
            pltpu.async_copy(table_hbm.at[idx_v], rows_v, sem).wait()
            pltpu.sync_copy(rows_v, out_hbm.at[pl.ds(off, CHUNK)])
            return carry

        lax.fori_loop(0, NCHUNK, body, 0)

    return gather(table, idx)


def _scan_kernel(inp_ref, whh_ref, wfc_ref, bfc_ref, out_ref, h_ref, c_ref):
    t = pl.program_id(0)

    @pl.when(t == 0)
    def _init():
        h_ref[...] = jnp.zeros_like(h_ref)
        c_ref[...] = jnp.zeros_like(c_ref)

    gates = inp_ref[0] + jnp.dot(h_ref[...].astype(jnp.bfloat16), whh_ref[...],
                                 preferred_element_type=jnp.float32)
    t4 = jnp.tanh(gates)
    i = 0.5 * t4[:, 0 * HIDDEN:1 * HIDDEN] + 0.5
    f = 0.5 * t4[:, 1 * HIDDEN:2 * HIDDEN] + 0.5
    g = t4[:, 2 * HIDDEN:3 * HIDDEN]
    o = 0.5 * t4[:, 3 * HIDDEN:4 * HIDDEN] + 0.5
    c_new = f * c_ref[...] + i * g
    h_new = o * jnp.tanh(c_new)
    c_ref[...] = c_new
    h_ref[...] = h_new

    @pl.when(t == SEQ - 1)
    def _fin():
        out_ref[...] = jnp.dot(h_new, wfc_ref[...],
                               preferred_element_type=jnp.float32) + bfc_ref[...]


def _scan(inp, whh_t, wfc_t, bfc):
    return pl.pallas_call(
        _scan_kernel,
        grid=(SEQ,),
        in_specs=[
            pl.BlockSpec((1, BATCH, 4 * HIDDEN), lambda t: (t, 0, 0)),
            pl.BlockSpec((HIDDEN, 4 * HIDDEN), lambda t: (0, 0)),
            pl.BlockSpec((HIDDEN, VOCAB), lambda t: (0, 0)),
            pl.BlockSpec((1, VOCAB), lambda t: (0, 0)),
        ],
        out_specs=pl.BlockSpec((BATCH, VOCAB), lambda t: (0, 0)),
        out_shape=jax.ShapeDtypeStruct((BATCH, VOCAB), jnp.float32),
        scratch_shapes=[
            pltpu.VMEM((BATCH, HIDDEN), jnp.float32),
            pltpu.VMEM((BATCH, HIDDEN), jnp.float32),
        ],
    )(inp, whh_t, wfc_t, bfc)


def kernel(x, emb, W_ih, W_hh, b_ih, b_hh, W_fc, b_fc):
    col = jax.lax.broadcasted_iota(jnp.int32, (1, 4 * HIDDEN), 1)
    scale = jnp.where((col >= 2 * HIDDEN) & (col < 3 * HIDDEN), 1.0, 0.5)
    wih_t = W_ih.T * scale
    whh_t = (W_hh.T * scale).astype(jnp.bfloat16)
    bias = (b_ih + b_hh).reshape(1, 4 * HIDDEN) * scale
    wfc_t = W_fc.T
    bfc = b_fc.reshape(1, VOCAB)

    table = _make_table(emb, wih_t, bias)
    idx = jnp.transpose(x.astype(jnp.int32), (1, 0)).reshape(SEQ * BATCH)
    inp = _sc_gather(table, idx).reshape(SEQ, BATCH, 4 * HIDDEN)
    return _scan(inp, whh_t, wfc_t, bfc)

# --- scband reference (transcript-rebuilt; emitter-appended) ---
"""Pipeline reference for scband-char-lstm-30949534335338 (READ-ONLY COPY).

The authoritative reference and input builder live on the scoring server;
editing this copy changes nothing except your own understanding.
"""

import jax, jax.numpy as jnp
import numpy as np

VOCAB = 256
EMBED = 256
HIDDEN = 512
SEQ = 256
BATCH = 64


def setup_inputs(seed: int = 0) -> dict:
    key = jax.random.key(seed)
    ks = jax.random.split(key, 8)
    x = jax.random.randint(ks[0], (BATCH, SEQ), 0, VOCAB, dtype=jnp.int64 if jax.config.jax_enable_x64 else jnp.int32)
    emb = jax.random.normal(ks[1], (VOCAB, EMBED), dtype=jnp.float32) * 0.1
    s_ih = 1.0 / np.sqrt(HIDDEN)
    W_ih = jax.random.uniform(ks[2], (4 * HIDDEN, EMBED), dtype=jnp.float32, minval=-s_ih, maxval=s_ih)
    W_hh = jax.random.uniform(ks[3], (4 * HIDDEN, HIDDEN), dtype=jnp.float32, minval=-s_ih, maxval=s_ih)
    b_ih = jax.random.uniform(ks[4], (4 * HIDDEN,), dtype=jnp.float32, minval=-s_ih, maxval=s_ih)
    b_hh = jax.random.uniform(ks[5], (4 * HIDDEN,), dtype=jnp.float32, minval=-s_ih, maxval=s_ih)
    s_fc = 1.0 / np.sqrt(HIDDEN)
    W_fc = jax.random.uniform(ks[6], (VOCAB, HIDDEN), dtype=jnp.float32, minval=-s_fc, maxval=s_fc)
    b_fc = jax.random.uniform(ks[7], (VOCAB,), dtype=jnp.float32, minval=-s_fc, maxval=s_fc)
    return {"x": x, "emb": emb, "W_ih": W_ih, "W_hh": W_hh, "b_ih": b_ih, "b_hh": b_hh, "W_fc": W_fc, "b_fc": b_fc}


def reference(x, emb, W_ih, W_hh, b_ih, b_hh, W_fc, b_fc):
    # Embedding lookup: (B, S) -> (B, S, E)
    e = jnp.take(emb, x, axis=0)
    # single-layer batch_first LSTM, PyTorch gate order i, f, g, o
    xs = jnp.transpose(e, (1, 0, 2))  # (S, B, E)

    def step(carry, xt):
        h, c = carry
        gates = xt @ W_ih.T + b_ih + h @ W_hh.T + b_hh
        i, f, g, o = jnp.split(gates, 4, axis=-1)
        i = jax.nn.sigmoid(i)
        f = jax.nn.sigmoid(f)
        g = jnp.tanh(g)
        o = jax.nn.sigmoid(o)
        c_new = f * c + i * g
        h_new = o * jnp.tanh(c_new)
        return (h_new, c_new), h_new

    h0 = jnp.zeros((x.shape[0], HIDDEN), dtype=jnp.float32)
    c0 = jnp.zeros((x.shape[0], HIDDEN), dtype=jnp.float32)
    (h_last, c_last), _ = jax.lax.scan(step, (h0, c0), xs)
    # Dense head on the last timestep hidden state -> next-char logits
    logits = h_last @ W_fc.T + b_fc  # (B, VOCAB)
    return logits

if __name__ == "__main__":
    import jax
    _d = setup_inputs()
    print(jax.jit(kernel)(*tuple(_d.values())))

</pallas_src>

<mosaic_0001>
#map = affine_map<(d0, d1) -> (0, 0)>
#map1 = affine_map<(d0, d1) -> (0)>
module attributes {stable_mosaic.version = 14 : i64} {
  func.func @gather(%arg0: i32, %arg1: i32, %arg2: memref<256x2048xf32, #tpu.memory_space<hbm>>, %arg3: memref<16384xi32, #tpu.memory_space<hbm>>, %arg4: memref<16384x2048xf32, #tpu.memory_space<hbm>>, %arg5: memref<32xi32, #tpu.memory_space<vmem>>, %arg6: memref<32x2048xf32, #tpu.memory_space<vmem>>, %arg7: memref<!tpu.dma_semaphore, #tpu.memory_space<semaphore_mem>>) attributes {dimension_semantics = [#tpu.dimension_semantics<core_parallel>, #tpu.dimension_semantics<subcore_parallel>], iteration_bounds = array<i64: 2, 16>, scalar_prefetch = 0 : i64, scratch_operands = 3 : i64, tpu.core_type = #tpu.core_type<sc_vector_subcore>, window_params = [{transform_indices = #map}, {transform_indices = #map1}, {transform_indices = #map}]} {
    %mul3A = arith.constant 2 : i32
    %mul3A_0 = arith.muli %arg1, %mul3A : i32
    %add3A = arith.addi %mul3A_0, %arg0 : i32
    %mul3A_1 = arith.constant 512 : i32
    %mul3A_2 = arith.muli %add3A, %mul3A_1 : i32
    %scan3A = arith.constant 0 : i32
    %scan3A_3 = arith.constant 0 : i32
    %scan3A_4 = arith.constant 16 : i32
    %scan3A_5 = arith.addi %scan3A_3, %scan3A_4 : i32
    %scan3A_6 = arith.constant 1 : i32
    scf.for %scan3A_8 = %scan3A_3 to %scan3A_5 step %scan3A_6  : i32 {
      %mul3A_9 = arith.constant 32 : i32
      %mul3A_10 = arith.muli %scan3A_8, %mul3A_9 : i32
      %add3A_11 = arith.addi %mul3A_2, %mul3A_10 : i32
      "tpu.region"() ({
        %run_scoped3A = tpu.sem_alloc : memref<!tpu.dma_semaphore, #tpu.memory_space<semaphore_mem>>
        %dma_start3A_16 = tpu.memref_slice %arg3[%add3A_11] : memref<16384xi32, #tpu.memory_space<hbm>> -> memref<32xi32, #tpu.memory_space<hbm>>
        %dma_start3A_17 = tpu.memref_slice %arg3[%add3A_11] : memref<16384xi32, #tpu.memory_space<hbm>> -> memref<32xi32, #tpu.memory_space<hbm>>
        tpu.enqueue_dma source(%dma_start3A_17 : memref<32xi32, #tpu.memory_space<hbm>>) target(%arg5 : memref<32xi32, #tpu.memory_space<vmem>>) target_semaphore(%run_scoped3A : memref<!tpu.dma_semaphore, #tpu.memory_space<semaphore_mem>>)
        %dma_wait3A_18 = tpu.memref_slice %arg3[%add3A_11] : memref<16384xi32, #tpu.memory_space<hbm>> -> memref<32xi32, #tpu.memory_space<hbm>>
        %dma_wait3A_19 = tpu.memref_slice %arg3[%add3A_11] : memref<16384xi32, #tpu.memory_space<hbm>> -> memref<32xi32, #tpu.memory_space<hbm>>
        tpu.wait_dma2 semaphore(%run_scoped3A : memref<!tpu.dma_semaphore, #tpu.memory_space<semaphore_mem>>) src(%dma_wait3A_19 : memref<32xi32, #tpu.memory_space<hbm>>) dst(%arg5 : memref<32xi32, #tpu.memory_space<vmem>>)
        tpu.yield
      }) : () -> ()
      %dma_start3A = arith.constant 0 : i32
      %dma_start3A_12 = arith.constant 0 : i32
      %dma_start3A_13 = tpu.memref_slice %arg2[%dma_start3A, %dma_start3A_12] : memref<256x2048xf32, #tpu.memory_space<hbm>> -> memref<256x2048xf32, #tpu.memory_space<hbm>>
      tpu.enqueue_indirect_dma source(%dma_start3A_13 : memref<256x2048xf32, #tpu.memory_space<hbm>>) target(%arg6 : memref<32x2048xf32, #tpu.memory_space<vmem>>) offsets(%arg5 : memref<32xi32, #tpu.memory_space<vmem>>) semaphore(%arg7 : memref<!tpu.dma_semaphore, #tpu.memory_space<semaphore_mem>>)
      %dma_wait3A = arith.constant 0 : i32
      %dma_wait3A_14 = arith.constant 0 : i32
      %dma_wait3A_15 = tpu.memref_slice %arg2[%dma_wait3A, %dma_wait3A_14] : memref<256x2048xf32, #tpu.memory_space<hbm>> -> memref<256x2048xf32, #tpu.memory_space<hbm>>
      tpu.wait_indirect_dma semaphore(%arg7 : memref<!tpu.dma_semaphore, #tpu.memory_space<semaphore_mem>>) src(%dma_wait3A_15 : memref<256x2048xf32, #tpu.memory_space<hbm>>) dst(%arg6 : memref<32x2048xf32, #tpu.memory_space<vmem>>)
      "tpu.region"() ({
        %run_scoped3A = tpu.sem_alloc : memref<!tpu.dma_semaphore, #tpu.memory_space<semaphore_mem>>
        %dma_start3A_16 = arith.constant 0 : i32
        %dma_start3A_17 = tpu.memref_slice %arg4[%add3A_11, %dma_start3A_16] : memref<16384x2048xf32, #tpu.memory_space<hbm>> -> memref<32x2048xf32, #tpu.memory_space<hbm>>
        %dma_start3A_18 = arith.constant 0 : i32
        %dma_start3A_19 = tpu.memref_slice %arg4[%add3A_11, %dma_start3A_18] : memref<16384x2048xf32, #tpu.memory_space<hbm>> -> memref<32x2048xf32, #tpu.memory_space<hbm>>
        tpu.enqueue_dma source(%arg6 : memref<32x2048xf32, #tpu.memory_space<vmem>>) target(%dma_start3A_19 : memref<32x2048xf32, #tpu.memory_space<hbm>>) target_semaphore(%run_scoped3A : memref<!tpu.dma_semaphore, #tpu.memory_space<semaphore_mem>>)
        %dma_wait3A_20 = arith.constant 0 : i32
        %dma_wait3A_21 = tpu.memref_slice %arg4[%add3A_11, %dma_wait3A_20] : memref<16384x2048xf32, #tpu.memory_space<hbm>> -> memref<32x2048xf32, #tpu.memory_space<hbm>>
        %dma_wait3A_22 = arith.constant 0 : i32
        %dma_wait3A_23 = tpu.memref_slice %arg4[%add3A_11, %dma_wait3A_22] : memref<16384x2048xf32, #tpu.memory_space<hbm>> -> memref<32x2048xf32, #tpu.memory_space<hbm>>
        tpu.wait_dma2 semaphore(%run_scoped3A : memref<!tpu.dma_semaphore, #tpu.memory_space<semaphore_mem>>) src(%arg6 : memref<32x2048xf32, #tpu.memory_space<vmem>>) dst(%dma_wait3A_23 : memref<32x2048xf32, #tpu.memory_space<hbm>>)
        tpu.yield
      }) : () -> ()
    }
    %scan3A_7 = arith.constant 16 : i32
    return
  }
}

module attributes {stable_mosaic.version = 14 : i64} {
  func.func @_table_kernel(%arg0: memref<256x256xf32, #tpu.memory_space<vmem>>, %arg1: memref<256x2048xf32, #tpu.memory_space<vmem>>, %arg2: memref<1x2048xf32, #tpu.memory_space<vmem>>, %arg3: memref<256x2048xf32, #tpu.memory_space<vmem>>) attributes {dimension_semantics = [], scalar_prefetch = 0 : i64, scratch_operands = 0 : i64, tpu.core_type = #tpu.core_type<tc>} {
    %get3A = arith.constant 0 : index
    %get3A_0 = arith.constant 0 : index
    %get3A_1 = vector.load %arg0[%get3A, %get3A_0] : memref<256x256xf32, #tpu.memory_space<vmem>>, vector<256x256xf32>
    %get3A_2 = arith.constant 0 : index
    %get3A_3 = arith.constant 0 : index
    %get3A_4 = vector.load %arg1[%get3A_2, %get3A_3] : memref<256x2048xf32, #tpu.memory_space<vmem>>, vector<256x2048xf32>
    %dot_general3A = arith.constant dense<0.000000e+00> : vector<256x2048xf32>
    %dot_general3A_5 = tpu.matmul %get3A_1, %get3A_4, %dot_general3A {dimension_numbers = #tpu.dot_dimension_numbers<[1], [0], [0], [1], [0, 0, 1, 1], [], []>, transpose_lhs_hint = false} : vector<256x256xf32>, vector<256x2048xf32>, vector<256x2048xf32> -> vector<256x2048xf32>
    %get3A_6 = arith.constant 0 : index
    %get3A_7 = arith.constant 0 : index
    %get3A_8 = vector.load %arg2[%get3A_6, %get3A_7] : memref<1x2048xf32, #tpu.memory_space<vmem>>, vector<1x2048xf32>
    %add3A = vector.broadcast %get3A_8 : vector<1x2048xf32> to vector<256x2048xf32>
    %add3A_9 = arith.addf %dot_general3A_5, %add3A : vector<256x2048xf32>
    %swap3A = arith.constant 0 : index
    %swap3A_10 = arith.constant 0 : index
    %swap3A_11 = vector.load %arg3[%swap3A, %swap3A_10] : memref<256x2048xf32, #tpu.memory_space<vmem>>, vector<256x2048xf32>
    tpu.vector_store %arg3[%swap3A, %swap3A_10], %add3A_9 {strides = array<i32>} : memref<256x2048xf32, #tpu.memory_space<vmem>>, vector<256x2048xf32>,
    return
  }
}

module attributes {stable_mosaic.version = 14 : i64} {
  func.func @_scan_kernel(%arg0: i32, %arg1: memref<1x64x2048xf32, #tpu.memory_space<vmem>>, %arg2: memref<512x2048xbf16, #tpu.memory_space<vmem>>, %arg3: memref<512x256xf32, #tpu.memory_space<vmem>>, %arg4: memref<1x256xf32, #tpu.memory_space<vmem>>, %arg5: memref<64x256xf32, #tpu.memory_space<vmem>>, %arg6: memref<64x512xf32, #tpu.memory_space<vmem>>, %arg7: memref<64x512xf32, #tpu.memory_space<vmem>>) attributes {dimension_semantics = [#tpu.dimension_semantics<arbitrary>], iteration_bounds = array<i64: 256>, scalar_prefetch = 0 : i64, scratch_operands = 2 : i64, tpu.core_type = #tpu.core_type<tc>, window_params = [{transform_indices = @transform_0, window_bounds = array<i64: 1, 64, 2048>}, {pipeline_mode = #tpu.pipeline_mode<synchronous>, transform_indices = @transform_1, window_bounds = array<i64: 512, 2048>}, {pipeline_mode = #tpu.pipeline_mode<synchronous>, transform_indices = @transform_2, window_bounds = array<i64: 512, 256>}, {pipeline_mode = #tpu.pipeline_mode<synchronous>, transform_indices = @transform_3, window_bounds = array<i64: 1, 256>}, {pipeline_mode = #tpu.pipeline_mode<synchronous>, transform_indices = @transform_4, window_bounds = array<i64: 64, 256>}]} {
    %eq3A = arith.constant 0 : i32
    %eq3A_0 = arith.cmpi eq, %arg0, %eq3A : i32
    %convert_element_type3A = arith.extui %eq3A_0 : i1 to i32
    %cond3A = arith.constant 0 : i32
    %cond3A_1 = arith.cmpi ne, %convert_element_type3A, %cond3A : i32
    scf.if %cond3A_1 {
      %broadcast_in_dim3A = arith.constant 0.000000e+00 : f32
      %broadcast_in_dim3A_52 = vector.broadcast %broadcast_in_dim3A : f32 to vector<64x512xf32>
      %swap3A_53 = arith.constant 0 : index
      %swap3A_54 = arith.constant 0 : index
      %swap3A_55 = vector.load %arg6[%swap3A_53, %swap3A_54] : memref<64x512xf32, #tpu.memory_space<vmem>>, vector<64x512xf32>
      tpu.vector_store %arg6[%swap3A_53, %swap3A_54], %broadcast_in_dim3A_52 {strides = array<i32>} : memref<64x512xf32, #tpu.memory_space<vmem>>, vector<64x512xf32>,
      %broadcast_in_dim3A_56 = arith.constant 0.000000e+00 : f32
      %broadcast_in_dim3A_57 = vector.broadcast %broadcast_in_dim3A_56 : f32 to vector<64x512xf32>
      %swap3A_58 = arith.constant 0 : index
      %swap3A_59 = arith.constant 0 : index
      %swap3A_60 = vector.load %arg7[%swap3A_58, %swap3A_59] : memref<64x512xf32, #tpu.memory_space<vmem>>, vector<64x512xf32>
      tpu.vector_store %arg7[%swap3A_58, %swap3A_59], %broadcast_in_dim3A_57 {strides = array<i32>} : memref<64x512xf32, #tpu.memory_space<vmem>>, vector<64x512xf32>,
    } else {
    }
    %get3A = arith.constant 0 : index
    %get3A_2 = arith.constant 0 : index
    %get3A_3 = arith.constant 0 : index
    %get3A_4 = vector.load %arg1[%get3A, %get3A_2, %get3A_3] : memref<1x64x2048xf32, #tpu.memory_space<vmem>>, vector<1x64x2048xf32>
    %get3A_5 = vector.shape_cast %get3A_4 : vector<1x64x2048xf32> to vector<64x2048xf32>
    %get3A_6 = arith.constant 0 : index
    %get3A_7 = arith.constant 0 : index
    %get3A_8 = vector.load %arg6[%get3A_6, %get3A_7] : memref<64x512xf32, #tpu.memory_space<vmem>>, vector<64x512xf32>
    %convert_element_type3A_9 = arith.truncf %get3A_8 : vector<64x512xf32> to vector<64x512xbf16>
    %get3A_10 = arith.constant 0 : index
    %get3A_11 = arith.constant 0 : index
    %get3A_12 = vector.load %arg2[%get3A_10, %get3A_11] : memref<512x2048xbf16, #tpu.memory_space<vmem>>, vector<512x2048xbf16>
    %dot_general3A = arith.constant dense<0.000000e+00> : vector<64x2048xf32>
    %dot_general3A_13 = tpu.matmul %convert_element_type3A_9, %get3A_12, %dot_general3A {dimension_numbers = #tpu.dot_dimension_numbers<[1], [0], [0], [1], [0, 0, 1, 1], [], []>, transpose_lhs_hint = false} : vector<64x512xbf16>, vector<512x2048xbf16>, vector<64x2048xf32> -> vector<64x2048xf32>
    %add3A = arith.addf %get3A_5, %dot_general3A_13 : vector<64x2048xf32>
    %tanh3A = math.tanh %add3A : vector<64x2048xf32>
    %slice3A = vector.extract_strided_slice %tanh3A {offsets = [0, 0], sizes = [64, 512], strides = [1, 1]} : vector<64x2048xf32> to vector<64x512xf32>
    %mul3A = arith.constant 5.000000e-01 : f32
    %mul3A_14 = vector.broadcast %mul3A : f32 to vector<64x512xf32>
    %mul3A_15 = arith.mulf %mul3A_14, %slice3A : vector<64x512xf32>
    %add3A_16 = arith.constant 5.000000e-01 : f32
    %add3A_17 = vector.broadcast %add3A_16 : f32 to vector<64x512xf32>
    %add3A_18 = arith.addf %mul3A_15, %add3A_17 : vector<64x512xf32>
    %slice3A_19 = vector.extract_strided_slice %tanh3A {offsets = [0, 512], sizes = [64, 512], strides = [1, 1]} : vector<64x2048xf32> to vector<64x512xf32>
    %mul3A_20 = arith.constant 5.000000e-01 : f32
    %mul3A_21 = vector.broadcast %mul3A_20 : f32 to vector<64x512xf32>
    %mul3A_22 = arith.mulf %mul3A_21, %slice3A_19 : vector<64x512xf32>
    %add3A_23 = arith.constant 5.000000e-01 : f32
    %add3A_24 = vector.broadcast %add3A_23 : f32 to vector<64x512xf32>
    %add3A_25 = arith.addf %mul3A_22, %add3A_24 : vector<64x512xf32>
    %slice3A_26 = vector.extract_strided_slice %tanh3A {offsets = [0, 1024], sizes = [64, 512], strides = [1, 1]} : vector<64x2048xf32> to vector<64x512xf32>
    %slice3A_27 = vector.extract_strided_slice %tanh3A {offsets = [0, 1536], sizes = [64, 512], strides = [1, 1]} : vector<64x2048xf32> to vector<64x512xf32>
    %mul3A_28 = arith.constant 5.000000e-01 : f32
    %mul3A_29 = vector.broadcast %mul3A_28 : f32 to vector<64x512xf32>
    %mul3A_30 = arith.mulf %mul3A_29, %slice3A_27 : vector<64x512xf32>
    %add3A_31 = arith.constant 5.000000e-01 : f32
    %add3A_32 = vector.broadcast %add3A_31 : f32 to vector<64x512xf32>
    %add3A_33 = arith.addf %mul3A_30, %add3A_32 : vector<64x512xf32>
    %get3A_34 = arith.constant 0 : index
    %get3A_35 = arith.constant 0 : index
    %get3A_36 = vector.load %arg7[%get3A_34, %get3A_35] : memref<64x512xf32, #tpu.memory_space<vmem>>, vector<64x512xf32>
    %mul3A_37 = arith.mulf %add3A_25, %get3A_36 : vector<64x512xf32>
    %mul3A_38 = arith.mulf %add3A_18, %slice3A_26 : vector<64x512xf32>
    %add3A_39 = arith.addf %mul3A_37, %mul3A_38 : vector<64x512xf32>
    %tanh3A_40 = math.tanh %add3A_39 : vector<64x512xf32>
    %mul3A_41 = arith.mulf %add3A_33, %tanh3A_40 : vector<64x512xf32>
    %swap3A = arith.constant 0 : index
    %swap3A_42 = arith.constant 0 : index
    %swap3A_43 = vector.load %arg7[%swap3A, %swap3A_42] : memref<64x512xf32, #tpu.memory_space<vmem>>, vector<64x512xf32>
    tpu.vector_store %arg7[%swap3A, %swap3A_42], %add3A_39 {strides = array<i32>} : memref<64x512xf32, #tpu.memory_space<vmem>>, vector<64x512xf32>,
    %swap3A_44 = arith.constant 0 : index
    %swap3A_45 = arith.constant 0 : index
    %swap3A_46 = vector.load %arg6[%swap3A_44, %swap3A_45] : memref<64x512xf32, #tpu.memory_space<vmem>>, vector<64x512xf32>
    tpu.vector_store %arg6[%swap3A_44, %swap3A_45], %mul3A_41 {strides = array<i32>} : memref<64x512xf32, #tpu.memory_space<vmem>>, vector<64x512xf32>,
    %eq3A_47 = arith.constant 255 : i32
    %eq3A_48 = arith.cmpi eq, %arg0, %eq3A_47 : i32
    %convert_element_type3A_49 = arith.extui %eq3A_48 : i1 to i32
    %cond3A_50 = arith.constant 0 : i32
    %cond3A_51 = arith.cmpi ne, %convert_element_type3A_49, %cond3A_50 : i32
    scf.if %cond3A_51 {
      %get3A_52 = arith.constant 0 : index
      %get3A_53 = arith.constant 0 : index
      %get3A_54 = vector.load %arg3[%get3A_52, %get3A_53] : memref<512x256xf32, #tpu.memory_space<vmem>>, vector<512x256xf32>
      %dot_general3A_55 = arith.constant dense<0.000000e+00> : vector<64x256xf32>
      %dot_general3A_56 = tpu.matmul %mul3A_41, %get3A_54, %dot_general3A_55 {dimension_numbers = #tpu.dot_dimension_numbers<[1], [0], [0], [1], [0, 0, 1, 1], [], []>, transpose_lhs_hint = false} : vector<64x512xf32>, vector<512x256xf32>, vector<64x256xf32> -> vector<64x256xf32>
      %get3A_57 = arith.constant 0 : index
      %get3A_58 = arith.constant 0 : index
      %get3A_59 = vector.load %arg4[%get3A_57, %get3A_58] : memref<1x256xf32, #tpu.memory_space<vmem>>, vector<1x256xf32>
      %add3A_60 = vector.broadcast %get3A_59 : vector<1x256xf32> to vector<64x256xf32>
      %add3A_61 = arith.addf %dot_general3A_56, %add3A_60 : vector<64x256xf32>
      %swap3A_62 = arith.constant 0 : index
      %swap3A_63 = arith.constant 0 : index
      %swap3A_64 = vector.load %arg5[%swap3A_62, %swap3A_63] : memref<64x256xf32, #tpu.memory_space<vmem>>, vector<64x256xf32>
      tpu.vector_store %arg5[%swap3A_62, %swap3A_63], %add3A_61 {strides = array<i32>} : memref<64x256xf32, #tpu.memory_space<vmem>>, vector<64x256xf32>,
    } else {
    }
    return
  }
  func.func @transform_0(%arg0: i32) -> (i32, i32, i32) {
    %c0_i32 = arith.constant 0 : i32
    %c0_i32_0 = arith.constant 0 : i32
    %c0_i32_1 = arith.constant 0 : i32
    return %arg0, %c0_i32, %c0_i32_0 : i32, i32, i32
  }
  func.func @transform_1(%arg0: i32) -> (i32, i32) {
    %c0_i32 = arith.constant 0 : i32
    %c0_i32_0 = arith.constant 0 : i32
    %c0_i32_1 = arith.constant 0 : i32
    return %c0_i32, %c0_i32_0 : i32, i32
  }
  func.func @transform_2(%arg0: i32) -> (i32, i32) {
    %c0_i32 = arith.constant 0 : i32
    %c0_i32_0 = arith.constant 0 : i32
    %c0_i32_1 = arith.constant 0 : i32
    return %c0_i32, %c0_i32_0 : i32, i32
  }
  func.func @transform_3(%arg0: i32) -> (i32, i32) {
    %c0_i32 = arith.constant 0 : i32
    %c0_i32_0 = arith.constant 0 : i32
    %c0_i32_1 = arith.constant 0 : i32
    return %c0_i32, %c0_i32_0 : i32, i32
  }
  func.func @transform_4(%arg0: i32) -> (i32, i32) {
    %c0_i32 = arith.constant 0 : i32
    %c0_i32_0 = arith.constant 0 : i32
    %c0_i32_1 = arith.constant 0 : i32
    return %c0_i32, %c0_i32_0 : i32, i32
  }
}

</mosaic_0001>

<sc_bundles>
// kernel: kernel.5.cloned.1.call-start
scs
__scs_entry_jumppad:
0x0: {  	(pc) =	sbr.rel $0x88, $3  }
0x1: {  	(tag) =	ssettag $0x0;
	lr =	simm.s32 $0x1  }
0x2: {  	[smem:$0x3F99] =	sst lr;
	_ =	strace $0xD0000000  }
0x3: {  	_ = 	snop  }
0x4: {  	_ = 	snop  }
0x5: {  	_ = 	snop  }
0x6: {  	_ = 	snop  }
0x7: {  	_ = 	snop  }
__scs_overlays_trampoline_lowered:
0x8: {  	[smem:$0x3FA8] =	sst s0  }
0x9: {  	[smem:$0x3FA9] =	sst s1  }
0xa: {  	[smem:$0x3FAA] =	sst s2  }
0xb: {  	[smem:$0x3FAB] =	sst s3  }
0xc: {  	[smem:$0x3FAC] =	sst s4  }
0xd: {  	[smem:$0x3FAD] =	sst s5  }
0xe: {  	[smem:$0x3FAE] =	sst s6  }
0xf: {  	[smem:$0x3FAF] =	sst s7  }
0x10: {  	[smem:$0x3FB0] =	sst s8  }
0x11: {  	[smem:$0x3FB1] =	sst s9;
	s0 =	simm.s32 @!p0 $0x0  }
0x12: {  	s1 =	sld [smem:$0x3F97];
	s0 =	simm.s32 @p0 $0x1  }
0x13: {  	[smem:$0x3FB2] =	sst s0;
	s0 =	simm.s32 @!p1 $0x0  }
0x14: {  	s2 =	sld [smem:$0x3F96];
	s0 =	simm.s32 @p1 $0x1  }
0x15: {  	[smem:$0x3FB3] =	sst s0;
	s0 =	simm.s32 @!p2 $0x0  }
0x16: {  	s3 =	sld [smem:$0x3FDB];
	s0 =	simm.s32 @p2 $0x1  }
0x17: {  	s4 =	simm.s32 $0x1BF5;
	[smem:$0x3FB5] =	sst s0  }
0x18: {  	s0 =	sld [smem:$0x3F98];
	_ =	swait.ge [sflag:s4], $0x0  }
0x19: {  	s7 =	sld [smem:$0x3F99]  }
0x1a: {  	s8 =	sadd.s32 $0xFFFFE003, lr  }
0x1b: {  	s9 =	sadd.s32 $0xFFFFFEF7, lr;
	s5 =	simm.s32 $0xFFFFFFFF;
	p2 =	slt.u32 s8, $0xFFFFF086  }
0x1c: {  	p1 =	slt.u32 s9, $0xF7A;
	s5 =	simm.s32 @!p2 $0x0  }
0x1d: {  	s5 =	simm.s32 @p1 $0x1;
	p0 =	seq.s32 s7, s2  }
0x1e: {  	s7 =	smul.u32 @!p0 $0xF7A, s2;
	p2 =	seq.s32 @!p0 s5, $0x0  }
0x1f: {  	s9 =	smul.u32 $0xF7A, s1;
	s8 =	simm.s32 @!p0 $0x1BF5;
	p2 =	por !p2, p0  }
0x20: {  	[sflag:s8] =	ssyncset.s32 @!p0 $0xFFFFF086;
	s6 =	sadd.s32 @!p0 s3, s7;
	s7 =	simm.s32 @!p0 $0x108  }
0x21: {  	s3 =	sadd.s32 s3, s9;
	s6 =	sadd.s32 @!p0 $0x88, s6;
	s7 =	simm.s32 @p2 $0x1082  }
0x22: {  	[simem:s7], [sflag:s8] =	dma.local @!p0 [hbm:s6], $0xF7A  }
0x23: {  	s9 =	sor.u32 $0xD0000000, s2;
	s6 =	simm.s32 $0x108;
	_ =	swait.ge @!p0 [sflag:s8], $0x0  }
0x24: {  	s3 =	sadd.s32 $0x88, s3;
	s6 =	simm.s32 @!p1 $0x1082;
	[sflag:s4] =	ssyncset.s32 $0xFFFFF086  }
0x25: {  	[simem:s6], [sflag:s4] =	dma.local [hbm:s3], $0xF7A  }
0x26: {  	[smem:$0x3F99] =	sst s1;
	(tag) =	ssettag s2;
	_ =	strace s9  }
0x27: {  	s1 =	sld [smem:$0x3FA9]  }
0x28: {  	s2 =	sld [smem:$0x3FAA]  }
0x29: {  	s4 =	sld [smem:$0x3FAC]  }
0x2a: {  	p0 =	seq.s32 s5, $0x0;
	s5 =	sld [smem:$0x3FAD]  }
0x2b: {  	s6 =	sld [smem:$0x3FAE]  }
0x2c: {  	s7 =	sld [smem:$0x3FAF]  }
0x2d: {  	s3 =	simm.s32 $0x108;
	s8 =	sld [smem:$0x3FB0]  }
0x2e: {  	s3 =	simm.s32 @!p0 $0x1082;
	s9 =	sld [smem:$0x3FB1]  }
0x2f: {  	lr =	sadd.s32 s0, s3;
	s0 =	sld [smem:$0x3FA8]  }
0x30: {  	s3 =	sld [smem:$0x3FAB]  }
0x31: {  	[smem:$0x3FB4] =	sst s10  }
0x32: {  	s10 =	sld [smem:$0x3FB2];
	_ =	sdelay $0x3  }
0x33: {  	p0 =	seq.s32 s10, $0x1;
	s10 =	sld [smem:$0x3FB4];
	_ =	sdelay $0x3  }
0x34: {  	[smem:$0x3FB4] =	sst s10  }
0x35: {  	s10 =	sld [smem:$0x3FB3];
	_ =	sdelay $0x3  }
0x36: {  	p1 =	seq.s32 s10, $0x1;
	s10 =	sld [smem:$0x3FB4];
	_ =	sdelay $0x3  }
0x37: {  	[smem:$0x3FB4] =	sst s10  }
0x38: {  	s10 =	sld [smem:$0x3FB5]  }
0x39: {  	_ = 	snop;
	(pc) =	sbr.ind lr, $3  }
0x3a: {  	_ = 	snop  }
0x3b: {  	_ = 	snop  }
0x3c: {  	p2 =	seq.s32 s10, $0x1;
	s10 =	sld [smem:$0x3FB4]  }
0x3d: {  	_ =	shalt  }
0x3e: {  	_ =	shalt  }
0x3f: {  	_ =	shalt  }
0x40: {  	_ =	shalt  }
0x41: {  	_ =	shalt  }
0x42: {  	_ =	shalt  }
0x43: {  	_ =	shalt  }
0x44: {  	_ =	shalt  }
0x45: {  	_ =	shalt  }
0x46: {  	_ =	shalt  }
0x47: {  	_ =	shalt  }
0x48: {  	_ =	shalt  }
0x49: {  	_ =	shalt  }
0x4a: {  	_ =	shalt  }
0x4b: {  	_ =	shalt  }
0x4c: {  	_ =	shalt  }
0x4d: {  	_ =	shalt  }
0x4e: {  	_ =	shalt  }
0x4f: {  	_ =	shalt  }
0x50: {  	_ =	shalt  }
0x51: {  	_ =	shalt  }
0x52: {  	_ =	shalt  }
0x53: {  	_ =	shalt  }
0x54: {  	_ =	shalt  }
0x55: {  	_ =	shalt  }
0x56: {  	_ =	shalt  }
0x57: {  	_ =	shalt  }
0x58: {  	_ =	shalt  }
0x59: {  	_ =	shalt  }
0x5a: {  	_ =	shalt  }
0x5b: {  	_ =	shalt  }
0x5c: {  	_ =	shalt  }
0x5d: {  	_ =	shalt  }
0x5e: {  	_ =	shalt  }
0x5f: {  	_ =	shalt  }
0x60: {  	_ =	shalt  }
0x61: {  	_ =	shalt  }
0x62: {  	_ =	shalt  }
0x63: {  	_ =	shalt  }
0x64: {  	_ =	shalt  }
0x65: {  	_ =	shalt  }
0x66: {  	_ =	shalt  }
0x67: {  	_ =	shalt  }
0x68: {  	_ =	shalt  }
0x69: {  	_ =	shalt  }
0x6a: {  	_ =	shalt  }
0x6b: {  	_ =	shalt  }
0x6c: {  	_ =	shalt  }
0x6d: {  	_ =	shalt  }
0x6e: {  	_ =	shalt  }
0x6f: {  	_ =	shalt  }
0x70: {  	_ =	shalt  }
0x71: {  	_ =	shalt  }
0x72: {  	_ =	shalt  }
0x73: {  	_ =	shalt  }
0x74: {  	_ =	shalt  }
0x75: {  	_ =	shalt  }
0x76: {  	_ =	shalt  }
0x77: {  	_ =	shalt  }
0x78: {  	_ =	shalt  }
0x79: {  	_ =	shalt  }
0x7a: {  	_ =	shalt  }
0x7b: {  	_ =	shalt  }
0x7c: {  	_ =	shalt  }
0x7d: {  	_ =	shalt  }
0x7e: {  	_ =	shalt  }
0x7f: {  	_ =	shalt  }
0x80: {  	_ =	shalt  }
0x81: {  	_ =	shalt  }
0x82: {  	_ =	shalt  }
0x83: {  	_ =	shalt  }
0x84: {  	_ =	shalt  }
0x85: {  	_ =	shalt  }
0x86: {  	_ =	shalt  }
0x87: {  	_ =	shalt  }
.Lfunc_end0:
.L_simem_size_0:
called_computation_lowered:
.L_overlay_start_0:
0x88: {  	s2 =	sld [smem:$0x3FD9]  }
0x89: {  	s3 =	sld [smem:$0x3FFE];
	_ =	sdelay $0x1  }
0x8a: {  	s1 =	srdreg.scid  }
0x8b: {  	s0 =	sand.u32 $0x1, s1  }
0x8c: {  	s17 =	sshll.u32 s0, $0xA;
	s2 =	sadd.s32 s3, s2  }
0x8d: {  	s2 =	sadd.s32 s2, s17  }
0x8e: {  	[smem:$0x3FC0] =	sst s2  }
0x8f: {  	_ = 	snop  }
0x90: {  	s2 =	sld [smem:$0x3FD0];
	(tm) =	ssettm $0x1  }
0x91: {  	s18 =	sld [smem:$0x3FFB];
	_ =	sdelay $0x3  }
0x92: {  	_ =	strace s18  }
0x93: {  	s3 =	sld [smem:$0x3FFC];
	_ =	sdelay $0x3  }
0x94: {  	_ =	strace s3  }
0x95: {  	s3 =	sld [smem:$0x3FFD];
	_ =	sdelay $0x3  }
0x96: {  	_ =	strace s3  }
0x97: {  	_ =	strace $0x8FFFFFFF  }
0x98: {  	s19 =	sld [smem:$0x3FDB];
	_ =	sdelay $0x1  }
0x99: {  	s4 =	simm.s32 $_scs_section_size  }
0x9a: {  	s5 =	simm.s32 $_size__tile_overlayer_lowered;
	s6 =	simm.s32 $_tile_overlayer_lowered  }
0x9b: {  	s22 =	simm.s32 $0x1BFF;
	s21 =	sshll.u32 s6, $0x1;
	s3 =	sadd.s32 s4, s19  }
0x9c: {  	s7 =	simm.s32 $0x0;
	s20 =	sshll.u32 s5, $0x1;
	s5 =	sadd.s32 s21, s3  }
0x9d: {  	[timem:s7], [sflag:s22] =	dma.local [hbm:s5], s20  }
0x9e: {  	_ =	swait.ge [sflag:s22], s20  }
0x9f: {  	s4 =	ssub.s32 $0x0, s20;
	[sflag:s22] =	ssyncset.done $0x0  }
0xa0: {  	[sflag:s22] =	ssyncadd.s32 s4;
	_ =	sdelay $0x1  }
0xa1: {  	s23 =	simm.s32 $0x1B8B  }
0xa2: {  	_ =	swait.ge [sflag:s23], $0x1  }
0xa3: {  	[sflag:s23] =	ssyncset.done $0x0  }
0xa4: {  	s25 =	simm.s32 $0x1B8E;
	s24 =	sld [smem:$0x3FFE];
	[sflag:s23] =	ssyncadd.s32 $0xFFFFFFFF  }
0xa5: {  	s26 =	simm.s32 $execute0_lowered;
	[smem:$0x3FD2] =	sst s25  }
0xa6: {  	s5 =	sshll.u32 s26, $0x1;
	_ =	strace $0x80000046;
	[dreg:$0x1] =	wrdreg $0xFFFFFFFF  }
0xa7: {  	s28 =	simm.s32 $_size_execute0_lowered;
	s3 =	sadd.s32 s3, s5;
	[dreg:$0x0] =	wrdreg $0x0  }
0xa8: {  	s5 =	sshll.u32 s28, $0x1;
	[dreg:$0x2] =	wrdreg s3  }
0xa9: {  	[dreg:$0x3] =	wrdreg s5  }
0xaa: {  	[dreg:$0x4] =	wrdreg $0xC0  }
0xab: {  	_ =	task [dreg:s7], $0x5FFFF  }
0xac: {  	[dreg:$0x1] =	wrdreg $0xFFFFFFFF  }
0xad: {  	[dreg:$0x0] =	wrdreg $0x60  }
0xae: {  	[dreg:$0x2] =	wrdreg s24  }
0xaf: {  	[dreg:$0x3] =	wrdreg s2  }
0xb0: {  	[dreg:$0x4] =	wrdreg $0x9  }
0xb1: {  	_ =	task.clear_ibuf [dreg:s7], $0x5FFFF;
	_ =	strace $0x90000046  }
0xb2: {  	s29 =	simm.s32 $0x9;
	_ =	strace $0x80000048  }
0xb3: {  	_ =	swait.ge [sflag:s29], $0x1  }
0xb4: {  	[sflag:s29] =	ssyncadd.s32 $0xFFFFFFFF  }
0xb5: {  	_ =	strace $0x90000048  }
0xb6: {  	_ =	sfence  }
0xb7: {  	s30 =	sld [smem:$0x0];
	_ =	sdelay $0x2  }
0xb8: {  	s31 =	sshll.u32 s1, $0xD;
	s1 =	sshrl.u32 s1, $0x2  }
0xb9: {  	s3 =	sand.u32 $0x4000, s31;
	s1 =	sadd.s32 s1, s30  }
0xba: {  	s0 =	sor.u32 s3, s0;
	s1 =	sshll.u32 s1, $0x11  }
0xbb: {  	s0 =	sor.u32 s1, s0  }
0xbc: {  	s0 =	sadd.s32 $0x8F2B, s0  }
0xbd: {  	[sflag:s0] =	ssyncadd.remote.s32 $0x1  }
0xbe: {  	_ =	sfence.sel $0xFFFF  }
0xbf: {  	[dreg:$0x0] =	wrdreg $0xFFFFFFFF;
	(pc) =	sbr.abs _section_cstart, $3  }
0xc0: {  	[dreg:$0x1] =	wrdreg $0xFFFFFFFF  }
0xc1: {  	_ =	task.clear_ibuf [dreg:s7], $0x2FFFF;
	_ =	strace $0x9FFFFFFF  }
0xc2: {  	(tm) =	ssettm $0x7FFFFFFF  }
0xc3: {  	_ =	shalt  }
tec
execute0_lowered:
.L_overlay_start_1:
0x0: {  	(tag) =	ssettag $0x1  }
0x1: {  	s0 =	srdreg.scid;
	s1 =	rddreg [dreg:$0x0]  }
0x2: {  	s6 =	stileid.u32;
	s4 =	rddreg [dreg:$0x1]  }
0x3: {  	s2 =	simm.s32 $0x0;
	s13 =	simm.s32 $0x880;
	s14 =	simm.s32 $0x1080  }
0x4: {  	s16 =	simm.s32 $0x1880;
	s18 =	simm.s32 $0x2080;
	[smem:$0x7FF] =	sst s2  }
0x5: {  	s19 =	simm.s32 $0x2880;
	_ =	strace $0x80000047;
	[dreg:$0x4] =	wrdreg s13  }
0x6: {  	s20 =	simm.s32 $0x3080;
	s7 =	simm.s32 $0x3880;
	[dreg:$0x5] =	wrdreg s14  }
0x7: {  	s8 =	simm.s32 $0x4080;
	s9 =	simm.s32 $0x4880;
	[dreg:$0x6] =	wrdreg s16  }
0x8: {  	s10 =	simm.s32 $0x5080;
	s21 =	simm.s32 $0x6080;
	[dreg:$0x7] =	wrdreg s18  }
0x9: {  	s22 =	simm.s32 $0x6880;
	s23 =	simm.s32 $0x7080;
	[dreg:$0x8] =	wrdreg s19  }
0xa: {  	s24 =	simm.s32 $0x7880;
	s25 =	simm.s32 $0x8080;
	[dreg:$0x9] =	wrdreg s20  }
0xb: {  	s26 =	simm.s32 $0x8880;
	s28 =	simm.s32 $0xF080;
	[dreg:$0xa] =	wrdreg s7  }
0xc: {  	s29 =	simm.s32 $0xF880;
	s30 =	simm.s32 $0x1;
	[dreg:$0xb] =	wrdreg s8  }
0xd: {  	s31 =	simm.s32 $0x0;
	s0 =	sand.u32 $0x1, s0;
	[dreg:$0xc] =	wrdreg s9  }
0xe: {  	s3 =	sshll.u32 s6, $0xA;
	s12 =	sshll.u32 s6, $0x12;
	[dreg:$0xd] =	wrdreg s10  }
0xf: {  	s6 =	sadd.s32 $0x1900, s1;
	s5 =	sshll.u32 s0, $0x9;
	[dreg:$0xf] =	wrdreg s21  }
0x10: {  	s12 =	sadd.s32 s12, s1;
	s15 =	ssub.s32 $0x2, s0;
	[dreg:$0x10] =	wrdreg s22  }
0x11: {  	s7 =	sadd.s32 $0x1A00, s1;
	s8 =	sadd.s32 $0x1B00, s1;
	[dreg:$0x11] =	wrdreg s23  }
0x12: {  	s9 =	sadd.s32 $0x1C00, s1;
	s13 =	simm.s32 $0x5880;
	[dreg:$0x12] =	wrdreg s24  }
0x13: {  	s10 =	sadd.s32 $0x1D00, s1;
	s0 =	sshll.u32 s0, $0x11;
	[dreg:$0x13] =	wrdreg s25  }
0x14: {  	s14 =	simm.s32 $0x80;
	[dreg:$0x14] =	wrdreg s26;
	s16 =	simm.s32 $0x9880  }
0x15: {  	s18 =	simm.s32 $0xA880;
	s19 =	simm.s32 $0xB080;
	s20 =	simm.s32 $0xB880  }
0x16: {  	s21 =	simm.s32 $0xC080;
	s22 =	simm.s32 $0xC880;
	s23 =	simm.s32 $0xD080  }
0x17: {  	s24 =	simm.s32 $0xD880;
	s25 =	simm.s32 $0xE080;
	s26 =	simm.s32 $0xE880  }
0x18: {  	s3 =	sor.u32 s5, s3;
	s17 =	sshrl.u32 s15, $0x1;
	[dreg:$0xe] =	wrdreg s13  }
0x19: {  	s0 =	sadd.s32 s0, s12;
	s13 =	simm.s32 $0x2;
	s5 =	sshrl.u32 s3, $0x3  }
0x1a: {  	s3 =	sadd.s32 $0x1600, s1;
	s11 =	ssub.s32 s15, s17;
	s0 =	sadd.s32 $0x11600, s0  }
0x1b: {  	v2 =	vlaneseq.u32;
	s15 =	simm.s32 $0x9080;
	s4 =	sadd.s32 s5, s4;
	[dreg:$0x16] =	wrdreg s0  }
0x1c: {  	vm0 =	vmmov $0xffff;
	v1 =	vshrl.u32 v2, $0x3;
	s17 =	simm.s32 $0xA080;
	s11 =	smax.u32 s11, $0x1;
	[dreg:$0x3] =	wrdreg s4  }
0x1d: {  	v0 =	vand.u32 $0x7, v2;
	v2 =	vor.u32 $0x8, v2;
	v1 =	vmul.u32 $0x8, v1;
	s5 =	sadd.s32 $0x1800, s1;
	s4 =	sadd.s32 $0x1700, s1;
	[dreg:$0x15] =	wrdreg s11  }
.LBB2_1:
0x1e: {  	s12 =	rddreg [dreg:$0x16];
	s0 =	simm.s32 $0x0  }
.LBB2_2:
0x1f: {  	s11 =	rddreg [dreg:$0x3]  }
0x20: {  	s11 =	sadd.s32 s0, s11  }
0x21: {  	[tilespmem:s2], [sflag:$0x2] =	stream.linear.gather [hbm4b:s11+s2], $0x20, $0x38;
	[tilespmem:$0x10080] =	vst v63  }
0x22: {  	_ =	swait.ge [sflag:s13], $0x20  }
0x23: {  	[sflag:s13] =	ssyncset.done $0x0  }
0x24: {  	[sflag:s13] =	ssyncadd.s32 $0xFFFFFFE0  }
0x25: {  	v3 =	vld [tilespmem:$0x0];
	_ =	sdelay $0x4  }
0x26: {  	v4 =	vshll.u32 v3, $0x4  }
0x27: {  	v3 =	vand.u32 $0x7, v3;
	v4 =	vand.u32 $0xFFFFFF80, v4  }
0x28: {  	v3 =	vor.u32 v3, v4  }
0x29: {  	v4 =	vperm.xlane v3, v0;
	_ =	sdelay $0x1  }
0x2a: {  	v4 =	vadd.s32 v1, v4;
	_ =	sdelay $0x4  }
0x2b: {  	[tilespmem:s14], [sflag:$0x1] =	stream.indirect_vreg.gather [hbm4b:s3+s2], $0x80, v4, vm0, $0xb8;
	[tilespmem:$0x10080] =	vst v63  }
0x2c: {  	s11 =	rddreg [dreg:$0x4]  }
0x2d: {  	[tilespmem:s11], [sflag:$0x1] =	stream.indirect_vreg.gather [hbm4b:s4+s2], $0x80, v4, vm0, $0xb8;
	[tilespmem:$0x10080] =	vst v63  }
0x2e: {  	s1 =	rddreg [dreg:$0x5]  }
0x2f: {  	[tilespmem:s1], [sflag:$0x1] =	stream.indirect_vreg.gather [hbm4b:s5+s2], $0x80, v4, vm0, $0xb8;
	[tilespmem:$0x10080] =	vst v63  }
0x30: {  	s11 =	rddreg [dreg:$0x6]  }
0x31: {  	[tilespmem:s11], [sflag:$0x1] =	stream.indirect_vreg.gather [hbm4b:s6+s2], $0x80, v4, vm0, $0xb8;
	[tilespmem:$0x10080] =	vst v63  }
0x32: {  	s1 =	rddreg [dreg:$0x7]  }
0x33: {  	[tilespmem:s1], [sflag:$0x1] =	stream.indirect_vreg.gather [hbm4b:s7+s2], $0x80, v4, vm0, $0xb8;
	[tilespmem:$0x10080] =	vst v63  }
0x34: {  	v3 =	vperm.xlane v3, v2;
	s11 =	rddreg [dreg:$0x8]  }
0x35: {  	[tilespmem:s11], [sflag:$0x1] =	stream.indirect_vreg.gather [hbm4b:s8+s2], $0x80, v4, vm0, $0xb8;
	[tilespmem:$0x10080] =	vst v63  }
0x36: {  	v3 =	vadd.s32 v1, v3;
	s1 =	rddreg [dreg:$0x9]  }
0x37: {  	[tilespmem:s1], [sflag:$0x1] =	stream.indirect_vreg.gather [hbm4b:s9+s2], $0x80, v4, vm0, $0xb8;
	[tilespmem:$0x10080] =	vst v63  }
0x38: {  	s11 =	rddreg [dreg:$0xa]  }
0x39: {  	[tilespmem:s11], [sflag:$0x1] =	stream.indirect_vreg.gather [hbm4b:s10+s2], $0x80, v4, vm0, $0xb8;
	[tilespmem:$0x10080] =	vst v63  }
0x3a: {  	s1 =	rddreg [dreg:$0xb]  }
0x3b: {  	[tilespmem:s1], [sflag:$0x1] =	stream.indirect_vreg.gather [hbm4b:s3+s2], $0x80, v3, vm0, $0xb8;
	[tilespmem:$0x10080] =	vst v63  }
0x3c: {  	s11 =	rddreg [dreg:$0xc]  }
0x3d: {  	[tilespmem:s11], [sflag:$0x1] =	stream.indirect_vreg.gather [hbm4b:s4+s2], $0x80, v3, vm0, $0xb8;
	[tilespmem:$0x10080] =	vst v63  }
0x3e: {  	s1 =	rddreg [dreg:$0xd]  }
0x3f: {  	[tilespmem:s1], [sflag:$0x1] =	stream.indirect_vreg.gather [hbm4b:s5+s2], $0x80, v3, vm0, $0xb8;
	[tilespmem:$0x10080] =	vst v63  }
0x40: {  	s11 =	rddreg [dreg:$0xe]  }
0x41: {  	[tilespmem:s11], [sflag:$0x1] =	stream.indirect_vreg.gather [hbm4b:s6+s2], $0x80, v3, vm0, $0xb8;
	[tilespmem:$0x10080] =	vst v63  }
0x42: {  	s1 =	rddreg [dreg:$0xf]  }
0x43: {  	[tilespmem:s1], [sflag:$0x1] =	stream.indirect_vreg.gather [hbm4b:s7+s2], $0x80, v3, vm0, $0xb8;
	[tilespmem:$0x10080] =	vst v63  }
0x44: {  	s11 =	rddreg [dreg:$0x10]  }
0x45: {  	[tilespmem:s11], [sflag:$0x1] =	stream.indirect_vreg.gather [hbm4b:s8+s2], $0x80, v3, vm0, $0xb8;
	[tilespmem:$0x10080] =	vst v63  }
0x46: {  	s1 =	rddreg [dreg:$0x11]  }
0x47: {  	[tilespmem:s1], [sflag:$0x1] =	stream.indirect_vreg.gather [hbm4b:s9+s2], $0x80, v3, vm0, $0xb8;
	[tilespmem:$0x10080] =	vst v63  }
0x48: {  	s11 =	rddreg [dreg:$0x12]  }
0x49: {  	[tilespmem:s11], [sflag:$0x1] =	stream.indirect_vreg.gather [hbm4b:s10+s2], $0x80, v3, vm0, $0xb8;
	[tilespmem:$0x10080] =	vst v63  }
0x4a: {  	v3 =	vld [tilespmem:$0x10];
	_ =	sdelay $0x4  }
0x4b: {  	v63 =	vshll.u32 v3, $0x4  }
0x4c: {  	v3 =	vand.u32 $0x7, v3;
	v4 =	vand.u32 $0xFFFFFF80, v63  }
0x4d: {  	v3 =	vor.u32 v3, v4  }
0x4e: {  	v4 =	vperm.xlane v3, v0;
	_ =	sdelay $0x1  }
0x4f: {  	v4 =	vadd.s32 v1, v4;
	_ =	sdelay $0x3  }
0x50: {  	s1 =	rddreg [dreg:$0x13]  }
0x51: {  	[tilespmem:s1], [sflag:$0x1] =	stream.indirect_vreg.gather [hbm4b:s3+s2], $0x80, v4, vm0, $0xb8;
	[tilespmem:$0x10080] =	vst v63  }
0x52: {  	s11 =	rddreg [dreg:$0x14]  }
0x53: {  	[tilespmem:s11], [sflag:$0x1] =	stream.indirect_vreg.gather [hbm4b:s4+s2], $0x80, v4, vm0, $0xb8;
	[tilespmem:$0x10080] =	vst v63  }
0x54: {  	_ = 	snop  }
0x55: {  	[tilespmem:s15], [sflag:$0x1] =	stream.indirect_vreg.gather [hbm4b:s5+s2], $0x80, v4, vm0, $0xb8;
	[tilespmem:$0x10080] =	vst v63  }
0x56: {  	_ = 	snop  }
0x57: {  	[tilespmem:s16], [sflag:$0x1] =	stream.indirect_vreg.gather [hbm4b:s6+s2], $0x80, v4, vm0, $0xb8;
	[tilespmem:$0x10080] =	vst v63  }
0x58: {  	_ = 	snop  }
0x59: {  	[tilespmem:s17], [sflag:$0x1] =	stream.indirect_vreg.gather [hbm4b:s7+s2], $0x80, v4, vm0, $0xb8;
	[tilespmem:$0x10080] =	vst v63  }
0x5a: {  	v3 =	vperm.xlane v3, v2  }
0x5b: {  	[tilespmem:s18], [sflag:$0x1] =	stream.indirect_vreg.gather [hbm4b:s8+s2], $0x80, v4, vm0, $0xb8;
	[tilespmem:$0x10080] =	vst v63  }
0x5c: {  	v3 =	vadd.s32 v1, v3  }
0x5d: {  	[tilespmem:s19], [sflag:$0x1] =	stream.indirect_vreg.gather [hbm4b:s9+s2], $0x80, v4, vm0, $0xb8;
	[tilespmem:$0x10080] =	vst v63  }
0x5e: {  	_ = 	snop  }
0x5f: {  	[tilespmem:s20], [sflag:$0x1] =	stream.indirect_vreg.gather [hbm4b:s10+s2], $0x80, v4, vm0, $0xb8;
	[tilespmem:$0x10080] =	vst v63  }
0x60: {  	_ = 	snop  }
0x61: {  	[tilespmem:s21], [sflag:$0x1] =	stream.indirect_vreg.gather [hbm4b:s3+s2], $0x80, v3, vm0, $0xb8;
	[tilespmem:$0x10080] =	vst v63  }
0x62: {  	_ = 	snop  }
0x63: {  	[tilespmem:s22], [sflag:$0x1] =	stream.indirect_vreg.gather [hbm4b:s4+s2], $0x80, v3, vm0, $0xb8;
	[tilespmem:$0x10080] =	vst v63  }
0x64: {  	_ = 	snop  }
0x65: {  	[tilespmem:s23], [sflag:$0x1] =	stream.indirect_vreg.gather [hbm4b:s5+s2], $0x80, v3, vm0, $0xb8;
	[tilespmem:$0x10080] =	vst v63  }
0x66: {  	_ = 	snop  }
0x67: {  	[tilespmem:s24], [sflag:$0x1] =	stream.indirect_vreg.gather [hbm4b:s6+s2], $0x80, v3, vm0, $0xb8;
	[tilespmem:$0x10080] =	vst v63  }
0x68: {  	_ = 	snop  }
0x69: {  	[tilespmem:s25], [sflag:$0x1] =	stream.indirect_vreg.gather [hbm4b:s7+s2], $0x80, v3, vm0, $0xb8;
	[tilespmem:$0x10080] =	vst v63  }
0x6a: {  	_ = 	snop  }
0x6b: {  	[tilespmem:s26], [sflag:$0x1] =	stream.indirect_vreg.gather [hbm4b:s8+s2], $0x80, v3, vm0, $0xb8;
	[tilespmem:$0x10080] =	vst v63  }
0x6c: {  	_ = 	snop  }
0x6d: {  	[tilespmem:s28], [sflag:$0x1] =	stream.indirect_vreg.gather [hbm4b:s9+s2], $0x80, v3, vm0, $0xb8;
	[tilespmem:$0x10080] =	vst v63  }
0x6e: {  	_ = 	snop  }
0x6f: {  	[tilespmem:s29], [sflag:$0x1] =	stream.indirect_vreg.gather [hbm4b:s10+s2], $0x80, v3, vm0, $0xb8;
	[tilespmem:$0x10080] =	vst v63  }
0x70: {  	_ =	swait.ge [sflag:s30], $0x10000  }
0x71: {  	p0 =	sne.s32 s0, $0x3C;
	[sflag:s30] =	ssyncset.done $0x0  }
.Ltmp0:
0x72: {  	[sflag:s30] =	ssyncadd.s32 $0xFFFF0000;
	(pc) =	sbr.rel @p0 .LBB2_2-.Ltmp0, $4  }
0x73: {  	[hbm4b:s12+s2] =	stream.linear.scatter [tilespmem:s14], [sflag:$0x2], $0x10000, $0x38;
	[tilespmem:$0x10080] =	vst v63  }
0x74: {  	_ =	swait.ge [sflag:s13], $0x10000  }
0x75: {  	[sflag:s13] =	ssyncset.done $0x0  }
0x76: {  	s0 =	sadd.s32 $0x4, s0;
	s12 =	sadd.s32 $0x2000, s12;
	[sflag:s13] =	ssyncadd.s32 $0xFFFF0000  }
0x77: {  	s31 =	sadd.s32 $0x1, s31;
	s0 =	rddreg [dreg:$0x15]  }
0x78: {  	p0 =	sne.s32 s31, s0  }
.Ltmp1:
0x79: {  	_ = 	snop;
	(pc) =	sbr.rel @p0 .LBB2_1-.Ltmp1, $1  }
0x7a: {  	_ =	sdelay $0x3  }
0x7b: {  	_ =	sfence.sel $0x180000  }
0x7c: {  	[bflag:$0x0] =	sbarrier.arrive $0xFFFF  }
0x7d: {  	_ =	strace $0x90000047  }
0x7e: {  	s0 =	stileid.u32;
	[bflag:$0x2] =	sbarrier.arrive $0xFFFF  }
0x7f: {  	p0 =	sne.s32 s0, $0x0;
	s0 =	rddreg [dreg:$0x2]  }
0x80: {  	s0 =	sadd.s32 @!p0 $0x100000, s0  }
0x81: {  	[sflag:s0] =	ssyncadd.tile.s32 @!p0 $0x1;
	_ =	shalt  }
.Lfunc_end2:
_tile_overlayer_lowered:
.L_overlay_start_2:
0x82: {  	(tag) =	ssettag $0x2  }
0x83: {  	s0 =	rddreg [dreg:$0x0];
	s2 =	stileid.u32  }
0x84: {  	s1 =	rddreg [dreg:$0x1];
	p0 =	sne.s32 s2, $0x0  }
0x85: {  	s3 =	rddreg [dreg:$0x2];
	[bflag:$0x3] =	sbarrier.arrive $0xFFFF;
	s2 =	simm.s32 @!p0 $0x1C02  }
0x86: {  	[timem:s3], [sflag:s2] =	dma.local @!p0 [hbm:s0], s1  }
0x87: {  	s0 =	simm.s32 @!p0 $0x2  }
0x88: {  	_ =	swait.ge @!p0 [sflag:s0], s1  }
0x89: {  	s1 =	ssub.s32 @!p0 $0x0, s1;
	[sflag:s0] =	ssyncset.done @!p0 $0x0  }
0x8a: {  	[sflag:s0] =	ssyncadd.s32 @!p0 s1  }
0x8b: {  	[bflag:$0x3] =	sbarrier.arrive $0xFFFF  }
0x8c: {  	_ =	shalt  }

</sc_bundles>
